<compile_context>
chip_gen: v7x
topology: tpu7x:2x2x1
jax: 0.10.2.dev20260603
libtpu: 0.0.44.dev20260713+nightly
codegen_flags: <defaults>
</compile_context>

<pallas_src>
import jax
import jax.numpy as jnp
from jax import lax
from jax.experimental import pallas as pl
from jax.experimental.pallas import tpu as pltpu
from jax.experimental.pallas import tpu_sc as plsc

_K = 8
_R = 3


def _sc_gatheronly(weight, ids):
    n = ids.shape[0]
    _, d = weight.shape
    info = plsc.get_sparse_core_info()
    nw = info.num_cores * info.num_subcores
    per_w = n // nw
    nchunks = per_w // _K
    assert (nchunks - 2) % _R == 0

    mesh = plsc.VectorSubcoreMesh(
        core_axis_name="core", subcore_axis_name="subcore"
    )

    @pl.kernel(
        out_type=jax.ShapeDtypeStruct((n, d), weight.dtype),
        mesh=mesh,
        scratch_types=[
            pltpu.VMEM((per_w,), jnp.int32),
        ]
        + [pltpu.VMEM((_K, d), jnp.float32) for _ in range(_R)]
        + [pltpu.SemaphoreType.DMA for _ in range(_R)],
    )
    def lookup(w_hbm, i_hbm, o_hbm, idx_v, *rest):
        bufs = rest[:_R]
        gsems = rest[_R:]
        wid = lax.axis_index("subcore") * info.num_cores + lax.axis_index(
            "core"
        )
        base = wid * per_w
        pltpu.sync_copy(i_hbm.at[pl.ds(base, per_w)], idx_v)

        def start_gather(c, b):
            pltpu.async_copy(
                w_hbm.at[idx_v.at[pl.ds(c * _K, _K)]], bufs[b], gsems[b]
            )

        def wait_gather(b):
            pltpu.make_async_copy(
                w_hbm.at[pl.ds(0, _K)], bufs[b], gsems[b]
            ).wait()

        start_gather(0, 0)
        start_gather(1, 1)
        wait_gather(0)
        start_gather(2, 2)
        wait_gather(1)

        @pl.loop(2, nchunks - _R, step=_R)
        def _(c0):
            for j in range(_R):
                c = c0 + j
                b = (2 + j) % _R
                start_gather(c + 1, (3 + j) % _R)
                wait_gather(b)

        c0 = nchunks - _R
        start_gather(c0 + 1, (c0 + 1) % _R)
        wait_gather(c0 % _R)
        start_gather(c0 + 2, (c0 + 2) % _R)
        wait_gather((c0 + 1) % _R)
        wait_gather((c0 + 2) % _R)

    return lookup(weight, ids)


def kernel(input_ids, weight):
    b, s = input_ids.shape
    d = weight.shape[1]
    out = _sc_gatheronly(weight, input_ids.reshape(-1))
    return out.reshape(b, s, d)

# --- scband reference (transcript-rebuilt; emitter-appended) ---
"""Pipeline reference for scband-patched-bit-embeddings-27204322853162 (READ-ONLY COPY).

The authoritative reference and input builder live on the scoring server;
editing this copy changes nothing except your own understanding.
"""

import jax, jax.numpy as jnp
import numpy as np

VOCAB = 256
D = 4096
BATCH = 4
SEQ = 8192


def unpack_bits(x):
    # x: int array; returns float32 [..., 8] of bits, MSB first (matches torch ref)
    shifts = jnp.arange(7, -1, -1, dtype=jnp.uint8)
    xb = x.astype(jnp.uint8)
    return ((xb[..., None] >> shifts) & 1).astype(jnp.float32)


def setup_inputs(seed: int = 0) -> dict:
    key = jax.random.key(seed)
    k_ids, k_emb = jax.random.split(key)
    input_ids = jax.random.randint(k_ids, (BATCH, SEQ), 0, VOCAB, dtype=jnp.int32)
    # Mimic PatchedBitEmbeddings.__init__:
    # base nn.Embedding weight ~ N(0,1); bit_proj initialized to zeros
    base_weight = jax.random.normal(k_emb, (VOCAB, D), dtype=jnp.float32)
    bit_proj_w = jnp.zeros((D, 8), dtype=jnp.float32)  # nn.init.zeros_
    all_bytes = jnp.arange(VOCAB, dtype=jnp.int32)
    base_embeds = jnp.take(base_weight, all_bytes, axis=0)
    bits = unpack_bits(all_bytes)                      # [256, 8]
    bit_feats = bits @ bit_proj_w.T                    # Linear(8, D, bias=False)
    combined_weight = base_embeds + bit_feats          # the learned Parameter `weight`
    return {"input_ids": input_ids, "weight": combined_weight}


def reference(input_ids, weight):
    # forward: nn.functional.embedding(input_ids, self.weight)
    return jnp.take(weight, input_ids, axis=0)

if __name__ == "__main__":
    import jax
    _d = setup_inputs()
    print(jax.jit(kernel)(*tuple(_d.values())))

</pallas_src>

<mosaic_0001>
#map = affine_map<(d0, d1) -> (0, 0)>
#map1 = affine_map<(d0, d1) -> (0)>
module attributes {stable_mosaic.version = 14 : i64} {
  func.func @lookup(%arg0: i32, %arg1: i32, %arg2: memref<256x4096xf32, #tpu.memory_space<hbm>>, %arg3: memref<32768xi32, #tpu.memory_space<hbm>>, %arg4: memref<32768x4096xf32, #tpu.memory_space<hbm>>, %arg5: memref<1024xi32, #tpu.memory_space<vmem>>, %arg6: memref<8x4096xf32, #tpu.memory_space<vmem>>, %arg7: memref<8x4096xf32, #tpu.memory_space<vmem>>, %arg8: memref<8x4096xf32, #tpu.memory_space<vmem>>, %arg9: memref<!tpu.dma_semaphore, #tpu.memory_space<semaphore_mem>>, %arg10: memref<!tpu.dma_semaphore, #tpu.memory_space<semaphore_mem>>, %arg11: memref<!tpu.dma_semaphore, #tpu.memory_space<semaphore_mem>>) attributes {dimension_semantics = [#tpu.dimension_semantics<core_parallel>, #tpu.dimension_semantics<subcore_parallel>], iteration_bounds = array<i64: 2, 16>, scalar_prefetch = 0 : i64, scratch_operands = 7 : i64, tpu.core_type = #tpu.core_type<sc_vector_subcore>, window_params = [{transform_indices = #map}, {transform_indices = #map1}, {transform_indices = #map}]} {
    %mul3A = arith.constant 2 : i32
    %mul3A_0 = arith.muli %arg1, %mul3A : i32
    %add3A = arith.addi %mul3A_0, %arg0 : i32
    %mul3A_1 = arith.constant 1024 : i32
    %mul3A_2 = arith.muli %add3A, %mul3A_1 : i32
    "tpu.region"() ({
      %run_scoped3A = tpu.sem_alloc : memref<!tpu.dma_semaphore, #tpu.memory_space<semaphore_mem>>
      %dma_start3A_60 = tpu.memref_slice %arg3[%mul3A_2] : memref<32768xi32, #tpu.memory_space<hbm>> -> memref<1024xi32, #tpu.memory_space<hbm>>
      %dma_start3A_61 = tpu.memref_slice %arg3[%mul3A_2] : memref<32768xi32, #tpu.memory_space<hbm>> -> memref<1024xi32, #tpu.memory_space<hbm>>
      tpu.enqueue_dma source(%dma_start3A_61 : memref<1024xi32, #tpu.memory_space<hbm>>) target(%arg5 : memref<1024xi32, #tpu.memory_space<vmem>>) target_semaphore(%run_scoped3A : memref<!tpu.dma_semaphore, #tpu.memory_space<semaphore_mem>>)
      %dma_wait3A_62 = tpu.memref_slice %arg3[%mul3A_2] : memref<32768xi32, #tpu.memory_space<hbm>> -> memref<1024xi32, #tpu.memory_space<hbm>>
      %dma_wait3A_63 = tpu.memref_slice %arg3[%mul3A_2] : memref<32768xi32, #tpu.memory_space<hbm>> -> memref<1024xi32, #tpu.memory_space<hbm>>
      tpu.wait_dma2 semaphore(%run_scoped3A : memref<!tpu.dma_semaphore, #tpu.memory_space<semaphore_mem>>) src(%dma_wait3A_63 : memref<1024xi32, #tpu.memory_space<hbm>>) dst(%arg5 : memref<1024xi32, #tpu.memory_space<vmem>>)
      tpu.yield
    }) : () -> ()
    %dma_start3A = arith.constant 0 : i32
    %dma_start3A_3 = tpu.memref_slice %arg5[%dma_start3A] : memref<1024xi32, #tpu.memory_space<vmem>> -> memref<8xi32, #tpu.memory_space<vmem>>
    %dma_start3A_4 = arith.constant 0 : i32
    %dma_start3A_5 = arith.constant 0 : i32
    %dma_start3A_6 = tpu.memref_slice %arg2[%dma_start3A_4, %dma_start3A_5] : memref<256x4096xf32, #tpu.memory_space<hbm>> -> memref<256x4096xf32, #tpu.memory_space<hbm>>
    tpu.enqueue_indirect_dma source(%dma_start3A_6 : memref<256x4096xf32, #tpu.memory_space<hbm>>) target(%arg6 : memref<8x4096xf32, #tpu.memory_space<vmem>>) offsets(%dma_start3A_3 : memref<8xi32, #tpu.memory_space<vmem>>) semaphore(%arg9 : memref<!tpu.dma_semaphore, #tpu.memory_space<semaphore_mem>>)
    %dma_start3A_7 = arith.constant 8 : i32
    %dma_start3A_8 = tpu.memref_slice %arg5[%dma_start3A_7] : memref<1024xi32, #tpu.memory_space<vmem>> -> memref<8xi32, #tpu.memory_space<vmem>>
    %dma_start3A_9 = arith.constant 0 : i32
    %dma_start3A_10 = arith.constant 0 : i32
    %dma_start3A_11 = tpu.memref_slice %arg2[%dma_start3A_9, %dma_start3A_10] : memref<256x4096xf32, #tpu.memory_space<hbm>> -> memref<256x4096xf32, #tpu.memory_space<hbm>>
    tpu.enqueue_indirect_dma source(%dma_start3A_11 : memref<256x4096xf32, #tpu.memory_space<hbm>>) target(%arg7 : memref<8x4096xf32, #tpu.memory_space<vmem>>) offsets(%dma_start3A_8 : memref<8xi32, #tpu.memory_space<vmem>>) semaphore(%arg10 : memref<!tpu.dma_semaphore, #tpu.memory_space<semaphore_mem>>)
    %dma_wait3A = arith.constant 0 : i32
    %dma_wait3A_12 = arith.constant 0 : i32
    %dma_wait3A_13 = tpu.memref_slice %arg2[%dma_wait3A, %dma_wait3A_12] : memref<256x4096xf32, #tpu.memory_space<hbm>> -> memref<8x4096xf32, #tpu.memory_space<hbm>>
    %dma_wait3A_14 = arith.constant 0 : i32
    %dma_wait3A_15 = arith.constant 0 : i32
    %dma_wait3A_16 = tpu.memref_slice %arg2[%dma_wait3A_14, %dma_wait3A_15] : memref<256x4096xf32, #tpu.memory_space<hbm>> -> memref<8x4096xf32, #tpu.memory_space<hbm>>
    tpu.wait_dma2 semaphore(%arg9 : memref<!tpu.dma_semaphore, #tpu.memory_space<semaphore_mem>>) src(%dma_wait3A_16 : memref<8x4096xf32, #tpu.memory_space<hbm>>) dst(%arg6 : memref<8x4096xf32, #tpu.memory_space<vmem>>)
    %dma_start3A_17 = arith.constant 16 : i32
    %dma_start3A_18 = tpu.memref_slice %arg5[%dma_start3A_17] : memref<1024xi32, #tpu.memory_space<vmem>> -> memref<8xi32, #tpu.memory_space<vmem>>
    %dma_start3A_19 = arith.constant 0 : i32
    %dma_start3A_20 = arith.constant 0 : i32
    %dma_start3A_21 = tpu.memref_slice %arg2[%dma_start3A_19, %dma_start3A_20] : memref<256x4096xf32, #tpu.memory_space<hbm>> -> memref<256x4096xf32, #tpu.memory_space<hbm>>
    tpu.enqueue_indirect_dma source(%dma_start3A_21 : memref<256x4096xf32, #tpu.memory_space<hbm>>) target(%arg8 : memref<8x4096xf32, #tpu.memory_space<vmem>>) offsets(%dma_start3A_18 : memref<8xi32, #tpu.memory_space<vmem>>) semaphore(%arg11 : memref<!tpu.dma_semaphore, #tpu.memory_space<semaphore_mem>>)
    %dma_wait3A_22 = arith.constant 0 : i32
    %dma_wait3A_23 = arith.constant 0 : i32
    %dma_wait3A_24 = tpu.memref_slice %arg2[%dma_wait3A_22, %dma_wait3A_23] : memref<256x4096xf32, #tpu.memory_space<hbm>> -> memref<8x4096xf32, #tpu.memory_space<hbm>>
    %dma_wait3A_25 = arith.constant 0 : i32
    %dma_wait3A_26 = arith.constant 0 : i32
    %dma_wait3A_27 = tpu.memref_slice %arg2[%dma_wait3A_25, %dma_wait3A_26] : memref<256x4096xf32, #tpu.memory_space<hbm>> -> memref<8x4096xf32, #tpu.memory_space<hbm>>
    tpu.wait_dma2 semaphore(%arg10 : memref<!tpu.dma_semaphore, #tpu.memory_space<semaphore_mem>>) src(%dma_wait3A_27 : memref<8x4096xf32, #tpu.memory_space<hbm>>) dst(%arg7 : memref<8x4096xf32, #tpu.memory_space<vmem>>)
    %scan3A = arith.constant 0 : i32
    %scan3A_28 = arith.constant 41 : i32
    %scan3A_29 = arith.addi %scan3A, %scan3A_28 : i32
    %scan3A_30 = arith.constant 1 : i32
    scf.for %scan3A_60 = %scan3A to %scan3A_29 step %scan3A_30  : i32 {
      %mul3A_61 = arith.constant 3 : i32
      %mul3A_62 = arith.muli %scan3A_60, %mul3A_61 : i32
      %add3A_63 = arith.constant 2 : i32
      %add3A_64 = arith.addi %add3A_63, %mul3A_62 : i32
      %add3A_65 = arith.constant 0 : i32
      %add3A_66 = arith.addi %add3A_64, %add3A_65 : i32
      %add3A_67 = arith.constant 1 : i32
      %add3A_68 = arith.addi %add3A_66, %add3A_67 : i32
      %mul3A_69 = arith.constant 8 : i32
      %mul3A_70 = arith.muli %add3A_68, %mul3A_69 : i32
      %dma_start3A_71 = tpu.memref_slice %arg5[%mul3A_70] : memref<1024xi32, #tpu.memory_space<vmem>> -> memref<8xi32, #tpu.memory_space<vmem>>
      %dma_start3A_72 = arith.constant 0 : i32
      %dma_start3A_73 = arith.constant 0 : i32
      %dma_start3A_74 = tpu.memref_slice %arg2[%dma_start3A_72, %dma_start3A_73] : memref<256x4096xf32, #tpu.memory_space<hbm>> -> memref<256x4096xf32, #tpu.memory_space<hbm>>
      tpu.enqueue_indirect_dma source(%dma_start3A_74 : memref<256x4096xf32, #tpu.memory_space<hbm>>) target(%arg6 : memref<8x4096xf32, #tpu.memory_space<vmem>>) offsets(%dma_start3A_71 : memref<8xi32, #tpu.memory_space<vmem>>) semaphore(%arg9 : memref<!tpu.dma_semaphore, #tpu.memory_space<semaphore_mem>>)
      %dma_wait3A_75 = arith.constant 0 : i32
      %dma_wait3A_76 = arith.constant 0 : i32
      %dma_wait3A_77 = tpu.memref_slice %arg2[%dma_wait3A_75, %dma_wait3A_76] : memref<256x4096xf32, #tpu.memory_space<hbm>> -> memref<8x4096xf32, #tpu.memory_space<hbm>>
      %dma_wait3A_78 = arith.constant 0 : i32
      %dma_wait3A_79 = arith.constant 0 : i32
      %dma_wait3A_80 = tpu.memref_slice %arg2[%dma_wait3A_78, %dma_wait3A_79] : memref<256x4096xf32, #tpu.memory_space<hbm>> -> memref<8x4096xf32, #tpu.memory_space<hbm>>
      tpu.wait_dma2 semaphore(%arg11 : memref<!tpu.dma_semaphore, #tpu.memory_space<semaphore_mem>>) src(%dma_wait3A_80 : memref<8x4096xf32, #tpu.memory_space<hbm>>) dst(%arg8 : memref<8x4096xf32, #tpu.memory_space<vmem>>)
      %add3A_81 = arith.constant 1 : i32
      %add3A_82 = arith.addi %add3A_64, %add3A_81 : i32
      %add3A_83 = arith.constant 1 : i32
      %add3A_84 = arith.addi %add3A_82, %add3A_83 : i32
      %mul3A_85 = arith.constant 8 : i32
      %mul3A_86 = arith.muli %add3A_84, %mul3A_85 : i32
      %dma_start3A_87 = tpu.memref_slice %arg5[%mul3A_86] : memref<1024xi32, #tpu.memory_space<vmem>> -> memref<8xi32, #tpu.memory_space<vmem>>
      %dma_start3A_88 = arith.constant 0 : i32
      %dma_start3A_89 = arith.constant 0 : i32
      %dma_start3A_90 = tpu.memref_slice %arg2[%dma_start3A_88, %dma_start3A_89] : memref<256x4096xf32, #tpu.memory_space<hbm>> -> memref<256x4096xf32, #tpu.memory_space<hbm>>
      tpu.enqueue_indirect_dma source(%dma_start3A_90 : memref<256x4096xf32, #tpu.memory_space<hbm>>) target(%arg7 : memref<8x4096xf32, #tpu.memory_space<vmem>>) offsets(%dma_start3A_87 : memref<8xi32, #tpu.memory_space<vmem>>) semaphore(%arg10 : memref<!tpu.dma_semaphore, #tpu.memory_space<semaphore_mem>>)
      %dma_wait3A_91 = arith.constant 0 : i32
      %dma_wait3A_92 = arith.constant 0 : i32
      %dma_wait3A_93 = tpu.memref_slice %arg2[%dma_wait3A_91, %dma_wait3A_92] : memref<256x4096xf32, #tpu.memory_space<hbm>> -> memref<8x4096xf32, #tpu.memory_space<hbm>>
      %dma_wait3A_94 = arith.constant 0 : i32
      %dma_wait3A_95 = arith.constant 0 : i32
      %dma_wait3A_96 = tpu.memref_slice %arg2[%dma_wait3A_94, %dma_wait3A_95] : memref<256x4096xf32, #tpu.memory_space<hbm>> -> memref<8x4096xf32, #tpu.memory_space<hbm>>
      tpu.wait_dma2 semaphore(%arg9 : memref<!tpu.dma_semaphore, #tpu.memory_space<semaphore_mem>>) src(%dma_wait3A_96 : memref<8x4096xf32, #tpu.memory_space<hbm>>) dst(%arg6 : memref<8x4096xf32, #tpu.memory_space<vmem>>)
      %add3A_97 = arith.constant 2 : i32
      %add3A_98 = arith.addi %add3A_64, %add3A_97 : i32
      %add3A_99 = arith.constant 1 : i32
      %add3A_100 = arith.addi %add3A_98, %add3A_99 : i32
      %mul3A_101 = arith.constant 8 : i32
      %mul3A_102 = arith.muli %add3A_100, %mul3A_101 : i32
      %dma_start3A_103 = tpu.memref_slice %arg5[%mul3A_102] : memref<1024xi32, #tpu.memory_space<vmem>> -> memref<8xi32, #tpu.memory_space<vmem>>
      %dma_start3A_104 = arith.constant 0 : i32
      %dma_start3A_105 = arith.constant 0 : i32
      %dma_start3A_106 = tpu.memref_slice %arg2[%dma_start3A_104, %dma_start3A_105] : memref<256x4096xf32, #tpu.memory_space<hbm>> -> memref<256x4096xf32, #tpu.memory_space<hbm>>
      tpu.enqueue_indirect_dma source(%dma_start3A_106 : memref<256x4096xf32, #tpu.memory_space<hbm>>) target(%arg8 : memref<8x4096xf32, #tpu.memory_space<vmem>>) offsets(%dma_start3A_103 : memref<8xi32, #tpu.memory_space<vmem>>) semaphore(%arg11 : memref<!tpu.dma_semaphore, #tpu.memory_space<semaphore_mem>>)
      %dma_wait3A_107 = arith.constant 0 : i32
      %dma_wait3A_108 = arith.constant 0 : i32
      %dma_wait3A_109 = tpu.memref_slice %arg2[%dma_wait3A_107, %dma_wait3A_108] : memref<256x4096xf32, #tpu.memory_space<hbm>> -> memref<8x4096xf32, #tpu.memory_space<hbm>>
      %dma_wait3A_110 = arith.constant 0 : i32
      %dma_wait3A_111 = arith.constant 0 : i32
      %dma_wait3A_112 = tpu.memref_slice %arg2[%dma_wait3A_110, %dma_wait3A_111] : memref<256x4096xf32, #tpu.memory_space<hbm>> -> memref<8x4096xf32, #tpu.memory_space<hbm>>
      tpu.wait_dma2 semaphore(%arg10 : memref<!tpu.dma_semaphore, #tpu.memory_space<semaphore_mem>>) src(%dma_wait3A_112 : memref<8x4096xf32, #tpu.memory_space<hbm>>) dst(%arg7 : memref<8x4096xf32, #tpu.memory_space<vmem>>)
    }
    %scan3A_31 = arith.constant 41 : i32
    %dma_start3A_32 = arith.constant 1008 : i32
    %dma_start3A_33 = tpu.memref_slice %arg5[%dma_start3A_32] : memref<1024xi32, #tpu.memory_space<vmem>> -> memref<8xi32, #tpu.memory_space<vmem>>
    %dma_start3A_34 = arith.constant 0 : i32
    %dma_start3A_35 = arith.constant 0 : i32
    %dma_start3A_36 = tpu.memref_slice %arg2[%dma_start3A_34, %dma_start3A_35] : memref<256x4096xf32, #tpu.memory_space<hbm>> -> memref<256x4096xf32, #tpu.memory_space<hbm>>
    tpu.enqueue_indirect_dma source(%dma_start3A_36 : memref<256x4096xf32, #tpu.memory_space<hbm>>) target(%arg6 : memref<8x4096xf32, #tpu.memory_space<vmem>>) offsets(%dma_start3A_33 : memref<8xi32, #tpu.memory_space<vmem>>) semaphore(%arg9 : memref<!tpu.dma_semaphore, #tpu.memory_space<semaphore_mem>>)
    %dma_wait3A_37 = arith.constant 0 : i32
    %dma_wait3A_38 = arith.constant 0 : i32
    %dma_wait3A_39 = tpu.memref_slice %arg2[%dma_wait3A_37, %dma_wait3A_38] : memref<256x4096xf32, #tpu.memory_space<hbm>> -> memref<8x4096xf32, #tpu.memory_space<hbm>>
    %dma_wait3A_40 = arith.constant 0 : i32
    %dma_wait3A_41 = arith.constant 0 : i32
    %dma_wait3A_42 = tpu.memref_slice %arg2[%dma_wait3A_40, %dma_wait3A_41] : memref<256x4096xf32, #tpu.memory_space<hbm>> -> memref<8x4096xf32, #tpu.memory_space<hbm>>
    tpu.wait_dma2 semaphore(%arg11 : memref<!tpu.dma_semaphore, #tpu.memory_space<semaphore_mem>>) src(%dma_wait3A_42 : memref<8x4096xf32, #tpu.memory_space<hbm>>) dst(%arg8 : memref<8x4096xf32, #tpu.memory_space<vmem>>)
    %dma_start3A_43 = arith.constant 1016 : i32
    %dma_start3A_44 = tpu.memref_slice %arg5[%dma_start3A_43] : memref<1024xi32, #tpu.memory_space<vmem>> -> memref<8xi32, #tpu.memory_space<vmem>>
    %dma_start3A_45 = arith.constant 0 : i32
    %dma_start3A_46 = arith.constant 0 : i32
    %dma_start3A_47 = tpu.memref_slice %arg2[%dma_start3A_45, %dma_start3A_46] : memref<256x4096xf32, #tpu.memory_space<hbm>> -> memref<256x4096xf32, #tpu.memory_space<hbm>>
    tpu.enqueue_indirect_dma source(%dma_start3A_47 : memref<256x4096xf32, #tpu.memory_space<hbm>>) target(%arg7 : memref<8x4096xf32, #tpu.memory_space<vmem>>) offsets(%dma_start3A_44 : memref<8xi32, #tpu.memory_space<vmem>>) semaphore(%arg10 : memref<!tpu.dma_semaphore, #tpu.memory_space<semaphore_mem>>)
    %dma_wait3A_48 = arith.constant 0 : i32
    %dma_wait3A_49 = arith.constant 0 : i32
    %dma_wait3A_50 = tpu.memref_slice %arg2[%dma_wait3A_48, %dma_wait3A_49] : memref<256x4096xf32, #tpu.memory_space<hbm>> -> memref<8x4096xf32, #tpu.memory_space<hbm>>
    %dma_wait3A_51 = arith.constant 0 : i32
    %dma_wait3A_52 = arith.constant 0 : i32
    %dma_wait3A_53 = tpu.memref_slice %arg2[%dma_wait3A_51, %dma_wait3A_52] : memref<256x4096xf32, #tpu.memory_space<hbm>> -> memref<8x4096xf32, #tpu.memory_space<hbm>>
    tpu.wait_dma2 semaphore(%arg9 : memref<!tpu.dma_semaphore, #tpu.memory_space<semaphore_mem>>) src(%dma_wait3A_53 : memref<8x4096xf32, #tpu.memory_space<hbm>>) dst(%arg6 : memref<8x4096xf32, #tpu.memory_space<vmem>>)
    %dma_wait3A_54 = arith.constant 0 : i32
    %dma_wait3A_55 = arith.constant 0 : i32
    %dma_wait3A_56 = tpu.memref_slice %arg2[%dma_wait3A_54, %dma_wait3A_55] : memref<256x4096xf32, #tpu.memory_space<hbm>> -> memref<8x4096xf32, #tpu.memory_space<hbm>>
    %dma_wait3A_57 = arith.constant 0 : i32
    %dma_wait3A_58 = arith.constant 0 : i32
    %dma_wait3A_59 = tpu.memref_slice %arg2[%dma_wait3A_57, %dma_wait3A_58] : memref<256x4096xf32, #tpu.memory_space<hbm>> -> memref<8x4096xf32, #tpu.memory_space<hbm>>
    tpu.wait_dma2 semaphore(%arg10 : memref<!tpu.dma_semaphore, #tpu.memory_space<semaphore_mem>>) src(%dma_wait3A_59 : memref<8x4096xf32, #tpu.memory_space<hbm>>) dst(%arg7 : memref<8x4096xf32, #tpu.memory_space<vmem>>)
    return
  }
}

</mosaic_0001>

<sc_bundles>
// kernel: kernel.3.cloned.1.call-start
scs
__scs_entry_jumppad:
0x0: {  	(pc) =	sbr.rel $0x88, $3  }
0x1: {  	(tag) =	ssettag $0x0;
	lr =	simm.s32 $0x1  }
0x2: {  	[smem:$0x3F9F] =	sst lr;
	_ =	strace $0xD0000000  }
0x3: {  	_ = 	snop  }
0x4: {  	_ = 	snop  }
0x5: {  	_ = 	snop  }
0x6: {  	_ = 	snop  }
0x7: {  	_ = 	snop  }
__scs_overlays_trampoline_lowered:
0x8: {  	[smem:$0x3FAE] =	sst s0  }
0x9: {  	[smem:$0x3FAF] =	sst s1  }
0xa: {  	[smem:$0x3FB0] =	sst s2  }
0xb: {  	[smem:$0x3FB1] =	sst s3  }
0xc: {  	[smem:$0x3FB2] =	sst s4  }
0xd: {  	[smem:$0x3FB3] =	sst s5  }
0xe: {  	[smem:$0x3FB4] =	sst s6  }
0xf: {  	[smem:$0x3FB5] =	sst s7  }
0x10: {  	[smem:$0x3FB6] =	sst s8  }
0x11: {  	[smem:$0x3FB7] =	sst s9;
	s0 =	simm.s32 @!p0 $0x0  }
0x12: {  	s1 =	sld [smem:$0x3F9D];
	s0 =	simm.s32 @p0 $0x1  }
0x13: {  	[smem:$0x3FB8] =	sst s0;
	s0 =	simm.s32 @!p1 $0x0  }
0x14: {  	s2 =	sld [smem:$0x3F9C];
	s0 =	simm.s32 @p1 $0x1  }
0x15: {  	[smem:$0x3FB9] =	sst s0;
	s0 =	simm.s32 @!p2 $0x0  }
0x16: {  	s3 =	sld [smem:$0x3FDB];
	s0 =	simm.s32 @p2 $0x1  }
0x17: {  	s4 =	simm.s32 $0x1BF5;
	[smem:$0x3FBB] =	sst s0  }
0x18: {  	s0 =	sld [smem:$0x3F9E];
	_ =	swait.ge [sflag:s4], $0x0  }
0x19: {  	s7 =	sld [smem:$0x3F9F]  }
0x1a: {  	s8 =	sadd.s32 $0xFFFFE003, lr  }
0x1b: {  	s9 =	sadd.s32 $0xFFFFFEF7, lr;
	s5 =	simm.s32 $0xFFFFFFFF;
	p2 =	slt.u32 s8, $0xFFFFF086  }
0x1c: {  	p1 =	slt.u32 s9, $0xF7A;
	s5 =	simm.s32 @!p2 $0x0  }
0x1d: {  	s5 =	simm.s32 @p1 $0x1;
	p0 =	seq.s32 s7, s2  }
0x1e: {  	s7 =	smul.u32 @!p0 $0xF7A, s2;
	p2 =	seq.s32 @!p0 s5, $0x0  }
0x1f: {  	s9 =	smul.u32 $0xF7A, s1;
	s8 =	simm.s32 @!p0 $0x1BF5;
	p2 =	por !p2, p0  }
0x20: {  	[sflag:s8] =	ssyncset.s32 @!p0 $0xFFFFF086;
	s6 =	sadd.s32 @!p0 s3, s7;
	s7 =	simm.s32 @!p0 $0x108  }
0x21: {  	s3 =	sadd.s32 s3, s9;
	s6 =	sadd.s32 @!p0 $0x88, s6;
	s7 =	simm.s32 @p2 $0x1082  }
0x22: {  	[simem:s7], [sflag:s8] =	dma.local @!p0 [hbm:s6], $0xF7A  }
0x23: {  	s9 =	sor.u32 $0xD0000000, s2;
	s6 =	simm.s32 $0x108;
	_ =	swait.ge @!p0 [sflag:s8], $0x0  }
0x24: {  	s3 =	sadd.s32 $0x88, s3;
	s6 =	simm.s32 @!p1 $0x1082;
	[sflag:s4] =	ssyncset.s32 $0xFFFFF086  }
0x25: {  	[simem:s6], [sflag:s4] =	dma.local [hbm:s3], $0xF7A  }
0x26: {  	[smem:$0x3F9F] =	sst s1;
	(tag) =	ssettag s2;
	_ =	strace s9  }
0x27: {  	s1 =	sld [smem:$0x3FAF]  }
0x28: {  	s2 =	sld [smem:$0x3FB0]  }
0x29: {  	s4 =	sld [smem:$0x3FB2]  }
0x2a: {  	p0 =	seq.s32 s5, $0x0;
	s5 =	sld [smem:$0x3FB3]  }
0x2b: {  	s6 =	sld [smem:$0x3FB4]  }
0x2c: {  	s7 =	sld [smem:$0x3FB5]  }
0x2d: {  	s3 =	simm.s32 $0x108;
	s8 =	sld [smem:$0x3FB6]  }
0x2e: {  	s3 =	simm.s32 @!p0 $0x1082;
	s9 =	sld [smem:$0x3FB7]  }
0x2f: {  	lr =	sadd.s32 s0, s3;
	s0 =	sld [smem:$0x3FAE]  }
0x30: {  	s3 =	sld [smem:$0x3FB1]  }
0x31: {  	[smem:$0x3FBA] =	sst s10  }
0x32: {  	s10 =	sld [smem:$0x3FB8];
	_ =	sdelay $0x3  }
0x33: {  	p0 =	seq.s32 s10, $0x1;
	s10 =	sld [smem:$0x3FBA];
	_ =	sdelay $0x3  }
0x34: {  	[smem:$0x3FBA] =	sst s10  }
0x35: {  	s10 =	sld [smem:$0x3FB9];
	_ =	sdelay $0x3  }
0x36: {  	p1 =	seq.s32 s10, $0x1;
	s10 =	sld [smem:$0x3FBA];
	_ =	sdelay $0x3  }
0x37: {  	[smem:$0x3FBA] =	sst s10  }
0x38: {  	s10 =	sld [smem:$0x3FBB]  }
0x39: {  	_ = 	snop;
	(pc) =	sbr.ind lr, $3  }
0x3a: {  	_ = 	snop  }
0x3b: {  	_ = 	snop  }
0x3c: {  	p2 =	seq.s32 s10, $0x1;
	s10 =	sld [smem:$0x3FBA]  }
0x3d: {  	_ =	shalt  }
0x3e: {  	_ =	shalt  }
0x3f: {  	_ =	shalt  }
0x40: {  	_ =	shalt  }
0x41: {  	_ =	shalt  }
0x42: {  	_ =	shalt  }
0x43: {  	_ =	shalt  }
0x44: {  	_ =	shalt  }
0x45: {  	_ =	shalt  }
0x46: {  	_ =	shalt  }
0x47: {  	_ =	shalt  }
0x48: {  	_ =	shalt  }
0x49: {  	_ =	shalt  }
0x4a: {  	_ =	shalt  }
0x4b: {  	_ =	shalt  }
0x4c: {  	_ =	shalt  }
0x4d: {  	_ =	shalt  }
0x4e: {  	_ =	shalt  }
0x4f: {  	_ =	shalt  }
0x50: {  	_ =	shalt  }
0x51: {  	_ =	shalt  }
0x52: {  	_ =	shalt  }
0x53: {  	_ =	shalt  }
0x54: {  	_ =	shalt  }
0x55: {  	_ =	shalt  }
0x56: {  	_ =	shalt  }
0x57: {  	_ =	shalt  }
0x58: {  	_ =	shalt  }
0x59: {  	_ =	shalt  }
0x5a: {  	_ =	shalt  }
0x5b: {  	_ =	shalt  }
0x5c: {  	_ =	shalt  }
0x5d: {  	_ =	shalt  }
0x5e: {  	_ =	shalt  }
0x5f: {  	_ =	shalt  }
0x60: {  	_ =	shalt  }
0x61: {  	_ =	shalt  }
0x62: {  	_ =	shalt  }
0x63: {  	_ =	shalt  }
0x64: {  	_ =	shalt  }
0x65: {  	_ =	shalt  }
0x66: {  	_ =	shalt  }
0x67: {  	_ =	shalt  }
0x68: {  	_ =	shalt  }
0x69: {  	_ =	shalt  }
0x6a: {  	_ =	shalt  }
0x6b: {  	_ =	shalt  }
0x6c: {  	_ =	shalt  }
0x6d: {  	_ =	shalt  }
0x6e: {  	_ =	shalt  }
0x6f: {  	_ =	shalt  }
0x70: {  	_ =	shalt  }
0x71: {  	_ =	shalt  }
0x72: {  	_ =	shalt  }
0x73: {  	_ =	shalt  }
0x74: {  	_ =	shalt  }
0x75: {  	_ =	shalt  }
0x76: {  	_ =	shalt  }
0x77: {  	_ =	shalt  }
0x78: {  	_ =	shalt  }
0x79: {  	_ =	shalt  }
0x7a: {  	_ =	shalt  }
0x7b: {  	_ =	shalt  }
0x7c: {  	_ =	shalt  }
0x7d: {  	_ =	shalt  }
0x7e: {  	_ =	shalt  }
0x7f: {  	_ =	shalt  }
0x80: {  	_ =	shalt  }
0x81: {  	_ =	shalt  }
0x82: {  	_ =	shalt  }
0x83: {  	_ =	shalt  }
0x84: {  	_ =	shalt  }
0x85: {  	_ =	shalt  }
0x86: {  	_ =	shalt  }
0x87: {  	_ =	shalt  }
.Lfunc_end0:
.L_simem_size_0:
called_computation_lowered:
.L_overlay_start_0:
0x88: {  	s2 =	sld [smem:$0x3FD9]  }
0x89: {  	s3 =	sld [smem:$0x3FFE];
	_ =	sdelay $0x1  }
0x8a: {  	s1 =	srdreg.scid  }
0x8b: {  	s0 =	sand.u32 $0x1, s1  }
0x8c: {  	s17 =	sshll.u32 s0, $0xA;
	s2 =	sadd.s32 s3, s2  }
0x8d: {  	s2 =	sadd.s32 s2, s17  }
0x8e: {  	[smem:$0x3FC6] =	sst s2  }
0x8f: {  	_ = 	snop  }
0x90: {  	s2 =	sld [smem:$0x3FC8];
	(tm) =	ssettm $0x1  }
0x91: {  	s18 =	sld [smem:$0x3FFB];
	_ =	sdelay $0x3  }
0x92: {  	_ =	strace s18  }
0x93: {  	s3 =	sld [smem:$0x3FFC];
	_ =	sdelay $0x3  }
0x94: {  	_ =	strace s3  }
0x95: {  	s3 =	sld [smem:$0x3FFD];
	_ =	sdelay $0x3  }
0x96: {  	_ =	strace s3  }
0x97: {  	_ =	strace $0x8FFFFFFF  }
0x98: {  	s19 =	sld [smem:$0x3FDB];
	_ =	sdelay $0x1  }
0x99: {  	s4 =	simm.s32 $_scs_section_size  }
0x9a: {  	s5 =	simm.s32 $_size__tile_overlayer_lowered;
	s6 =	simm.s32 $_tile_overlayer_lowered  }
0x9b: {  	s22 =	simm.s32 $0x1BFF;
	s21 =	sshll.u32 s6, $0x1;
	s3 =	sadd.s32 s4, s19  }
0x9c: {  	s7 =	simm.s32 $0x0;
	s20 =	sshll.u32 s5, $0x1;
	s5 =	sadd.s32 s21, s3  }
0x9d: {  	[timem:s7], [sflag:s22] =	dma.local [hbm:s5], s20  }
0x9e: {  	_ =	swait.ge [sflag:s22], s20  }
0x9f: {  	s4 =	ssub.s32 $0x0, s20;
	[sflag:s22] =	ssyncset.done $0x0  }
0xa0: {  	[sflag:s22] =	ssyncadd.s32 s4;
	_ =	sdelay $0x1  }
0xa1: {  	s23 =	simm.s32 $0x1B8B  }
0xa2: {  	_ =	swait.ge [sflag:s23], $0x1  }
0xa3: {  	[sflag:s23] =	ssyncset.done $0x0  }
0xa4: {  	s25 =	simm.s32 $0x1B8E;
	s24 =	sld [smem:$0x3FFE];
	[sflag:s23] =	ssyncadd.s32 $0xFFFFFFFF  }
0xa5: {  	s26 =	simm.s32 $execute0_lowered;
	[smem:$0x3FD2] =	sst s25  }
0xa6: {  	s5 =	sshll.u32 s26, $0x1;
	_ =	strace $0x80000046;
	[dreg:$0x1] =	wrdreg $0xFFFFFFFF  }
0xa7: {  	s28 =	simm.s32 $_size_execute0_lowered;
	s3 =	sadd.s32 s3, s5;
	[dreg:$0x0] =	wrdreg $0x0  }
0xa8: {  	s5 =	sshll.u32 s28, $0x1;
	[dreg:$0x2] =	wrdreg s3  }
0xa9: {  	[dreg:$0x3] =	wrdreg s5  }
0xaa: {  	[dreg:$0x4] =	wrdreg $0xC0  }
0xab: {  	_ =	task [dreg:s7], $0x5FFFF  }
0xac: {  	[dreg:$0x1] =	wrdreg $0xFFFFFFFF  }
0xad: {  	[dreg:$0x0] =	wrdreg $0x60  }
0xae: {  	[dreg:$0x2] =	wrdreg s2  }
0xaf: {  	[dreg:$0x3] =	wrdreg s24  }
0xb0: {  	[dreg:$0x4] =	wrdreg $0x9  }
0xb1: {  	_ =	task.clear_ibuf [dreg:s7], $0x5FFFF;
	_ =	strace $0x90000046  }
0xb2: {  	s29 =	simm.s32 $0x9;
	_ =	strace $0x80000048  }
0xb3: {  	_ =	swait.ge [sflag:s29], $0x1  }
0xb4: {  	[sflag:s29] =	ssyncadd.s32 $0xFFFFFFFF  }
0xb5: {  	_ =	strace $0x90000048  }
0xb6: {  	_ =	sfence  }
0xb7: {  	s30 =	sld [smem:$0x0];
	_ =	sdelay $0x2  }
0xb8: {  	s31 =	sshll.u32 s1, $0xD;
	s1 =	sshrl.u32 s1, $0x2  }
0xb9: {  	s3 =	sand.u32 $0x4000, s31;
	s1 =	sadd.s32 s1, s30  }
0xba: {  	s0 =	sor.u32 s3, s0;
	s1 =	sshll.u32 s1, $0x11  }
0xbb: {  	s0 =	sor.u32 s1, s0  }
0xbc: {  	s0 =	sadd.s32 $0x8F2B, s0  }
0xbd: {  	[sflag:s0] =	ssyncadd.remote.s32 $0x1  }
0xbe: {  	_ =	sfence.sel $0xFFFF  }
0xbf: {  	[dreg:$0x0] =	wrdreg $0xFFFFFFFF;
	(pc) =	sbr.abs _section_cstart, $3  }
0xc0: {  	[dreg:$0x1] =	wrdreg $0xFFFFFFFF  }
0xc1: {  	_ =	task.clear_ibuf [dreg:s7], $0x2FFFF;
	_ =	strace $0x9FFFFFFF  }
0xc2: {  	(tm) =	ssettm $0x7FFFFFFF  }
0xc3: {  	_ =	shalt  }
tec
execute0_lowered:
.L_overlay_start_1:
0x0: {  	(tag) =	ssettag $0x1  }
0x1: {  	s1 =	rddreg [dreg:$0x0]  }
0x2: {  	s0 =	rddreg [dreg:$0x1]  }
0x3: {  	s2 =	srdreg.scid;
	s3 =	simm.s32 $0x0;
	s5 =	stileid.u32  }
0x4: {  	s28 =	simm.s32 $0x10400;
	s29 =	simm.s32 $0x10C00;
	s20 =	simm.s32 $0x11400  }
0x5: {  	s30 =	simm.s32 $0x11C00;
	s21 =	simm.s32 $0x12400;
	s31 =	simm.s32 $0x12C00  }
0x6: {  	s22 =	simm.s32 $0x13400;
	s23 =	simm.s32 $0x14400;
	s2 =	sand.u32 $0x1, s2  }
0x7: {  	s24 =	sshll.u32 s5, $0x8;
	[smem:$0x7FF] =	sst s3;
	s5 =	sadd.s32 $0x100, s1  }
0x8: {  	s6 =	sadd.s32 $0x200, s1;
	s7 =	sadd.s32 $0x300, s1;
	s8 =	sadd.s32 $0x400, s1  }
0x9: {  	s9 =	sadd.s32 $0x500, s1;
	s10 =	sadd.s32 $0x600, s1;
	s11 =	sadd.s32 $0x700, s1  }
0xa: {  	s12 =	sadd.s32 $0x800, s1;
	s13 =	sadd.s32 $0x900, s1;
	s14 =	sadd.s32 $0xA00, s1  }
0xb: {  	s15 =	sadd.s32 $0xB00, s1;
	s16 =	sadd.s32 $0xC00, s1;
	s17 =	sadd.s32 $0xD00, s1  }
0xc: {  	s18 =	sadd.s32 $0xE00, s1;
	s19 =	sadd.s32 $0xF00, s1;
	s4 =	sshll.u32 s2, $0x7  }
0xd: {  	s1 =	simm.s32 $0x0;
	s2 =	ssub.s32 $0x2, s2;
	s0 =	sadd.s32 s4, s0  }
0xe: {  	_ =	strace $0x80000047;
	s25 =	sshrl.u32 s2, $0x1;
	s0 =	sadd.s32 s24, s0  }
0xf: {  	v0 =	vlaneseq.u32;
	s2 =	ssub.s32 s2, s25;
	s24 =	simm.s32 $0x3;
	s0 =	sadd.s32 $0x400, s0  }
0x10: {  	v1 =	vshrl.u32 v0, $0x3;
	s26 =	smax.u32 s2, $0x1;
	s2 =	simm.s32 $0x2;
	[dreg:$0x3] =	wrdreg s0  }
0x11: {  	vm0 =	vmmov $0xffff;
	v0 =	vand.u32 $0x7, v0;
	v1 =	vmul.u32 $0x8, v1;
	[dreg:$0x4] =	wrdreg s26;
	s26 =	simm.s32 $0x1;
	s0 =	simm.s32 $0x13C00  }
.LBB2_1:
0x12: {  	[dreg:$0x5] =	wrdreg s1  }
0x13: {  	s25 =	rddreg [dreg:$0x3];
	s1 =	simm.s32 $0x4  }
0x14: {  	[tilespmem:s3], [sflag:$0x4] =	stream.linear.gather [hbm4b:s25+s3], $0x400, $0x38;
	[tilespmem:$0x18400] =	vst v63  }
0x15: {  	_ =	swait.ge [sflag:s1], $0x400  }
0x16: {  	[sflag:s1] =	ssyncset.done $0x0  }
0x17: {  	[sflag:s1] =	ssyncadd.s32 $0xFFFFFC00  }
0x18: {  	v2 =	vld.msk [tilespmem:$0x0], $0xff;
	_ =	sdelay $0x4  }
0x19: {  	v3 =	vshll.u32 v2, $0x5  }
0x1a: {  	v2 =	vand.u32 $0x7, v2;
	v3 =	vand.u32 $0xFFFFFF00, v3  }
0x1b: {  	v2 =	vor.u32 v2, v3  }
0x1c: {  	v2 =	vperm.xlane v2, v0;
	_ =	sdelay $0x1  }
0x1d: {  	v2 =	vadd.s32 v1, v2;
	_ =	sdelay $0x3  }
0x1e: {  	s4 =	simm.s32 $0x400;
	s1 =	rddreg [dreg:$0x0]  }
0x1f: {  	[tilespmem:s4], [sflag:$0x1] =	stream.indirect_vreg.gather [hbm4b:s1+s3], $0x80, v2, vm0, $0xb8;
	[tilespmem:$0x18400] =	vst v63  }
0x20: {  	s4 =	simm.s32 $0xC00  }
0x21: {  	[tilespmem:s4], [sflag:$0x1] =	stream.indirect_vreg.gather [hbm4b:s5+s3], $0x80, v2, vm0, $0xb8;
	[tilespmem:$0x18400] =	vst v63  }
0x22: {  	s25 =	simm.s32 $0x1400  }
0x23: {  	[tilespmem:s25], [sflag:$0x1] =	stream.indirect_vreg.gather [hbm4b:s6+s3], $0x80, v2, vm0, $0xb8;
	[tilespmem:$0x18400] =	vst v63  }
0x24: {  	s25 =	simm.s32 $0x1C00  }
0x25: {  	[tilespmem:s25], [sflag:$0x1] =	stream.indirect_vreg.gather [hbm4b:s7+s3], $0x80, v2, vm0, $0xb8;
	[tilespmem:$0x18400] =	vst v63  }
0x26: {  	s25 =	simm.s32 $0x2400  }
0x27: {  	[tilespmem:s25], [sflag:$0x1] =	stream.indirect_vreg.gather [hbm4b:s8+s3], $0x80, v2, vm0, $0xb8;
	[tilespmem:$0x18400] =	vst v63  }
0x28: {  	s25 =	simm.s32 $0x2C00  }
0x29: {  	[tilespmem:s25], [sflag:$0x1] =	stream.indirect_vreg.gather [hbm4b:s9+s3], $0x80, v2, vm0, $0xb8;
	[tilespmem:$0x18400] =	vst v63  }
0x2a: {  	s25 =	simm.s32 $0x3400  }
0x2b: {  	[tilespmem:s25], [sflag:$0x1] =	stream.indirect_vreg.gather [hbm4b:s10+s3], $0x80, v2, vm0, $0xb8;
	[tilespmem:$0x18400] =	vst v63  }
0x2c: {  	s25 =	simm.s32 $0x3C00  }
0x2d: {  	[tilespmem:s25], [sflag:$0x1] =	stream.indirect_vreg.gather [hbm4b:s11+s3], $0x80, v2, vm0, $0xb8;
	[tilespmem:$0x18400] =	vst v63  }
0x2e: {  	s25 =	simm.s32 $0x4400  }
0x2f: {  	[tilespmem:s25], [sflag:$0x1] =	stream.indirect_vreg.gather [hbm4b:s12+s3], $0x80, v2, vm0, $0xb8;
	[tilespmem:$0x18400] =	vst v63  }
0x30: {  	s25 =	simm.s32 $0x4C00  }
0x31: {  	[tilespmem:s25], [sflag:$0x1] =	stream.indirect_vreg.gather [hbm4b:s13+s3], $0x80, v2, vm0, $0xb8;
	[tilespmem:$0x18400] =	vst v63  }
0x32: {  	s25 =	simm.s32 $0x5400  }
0x33: {  	[tilespmem:s25], [sflag:$0x1] =	stream.indirect_vreg.gather [hbm4b:s14+s3], $0x80, v2, vm0, $0xb8;
	[tilespmem:$0x18400] =	vst v63  }
0x34: {  	s25 =	simm.s32 $0x5C00  }
0x35: {  	[tilespmem:s25], [sflag:$0x1] =	stream.indirect_vreg.gather [hbm4b:s15+s3], $0x80, v2, vm0, $0xb8;
	[tilespmem:$0x18400] =	vst v63  }
0x36: {  	s25 =	simm.s32 $0x6400  }
0x37: {  	[tilespmem:s25], [sflag:$0x1] =	stream.indirect_vreg.gather [hbm4b:s16+s3], $0x80, v2, vm0, $0xb8;
	[tilespmem:$0x18400] =	vst v63  }
0x38: {  	s25 =	simm.s32 $0x6C00  }
0x39: {  	[tilespmem:s25], [sflag:$0x1] =	stream.indirect_vreg.gather [hbm4b:s17+s3], $0x80, v2, vm0, $0xb8;
	[tilespmem:$0x18400] =	vst v63  }
0x3a: {  	s25 =	simm.s32 $0x7400  }
0x3b: {  	[tilespmem:s25], [sflag:$0x1] =	stream.indirect_vreg.gather [hbm4b:s18+s3], $0x80, v2, vm0, $0xb8;
	[tilespmem:$0x18400] =	vst v63  }
0x3c: {  	s25 =	simm.s32 $0x7C00  }
0x3d: {  	[tilespmem:s25], [sflag:$0x1] =	stream.indirect_vreg.gather [hbm4b:s19+s3], $0x80, v2, vm0, $0xb8;
	[tilespmem:$0x18400] =	vst v63  }
0x3e: {  	v2 =	vld.msk [tilespmem:$0x8], $0xff;
	_ =	sdelay $0x4  }
0x3f: {  	v3 =	vshll.u32 v2, $0x5  }
0x40: {  	v2 =	vand.u32 $0x7, v2;
	v3 =	vand.u32 $0xFFFFFF00, v3  }
0x41: {  	v2 =	vor.u32 v2, v3  }
0x42: {  	v2 =	vperm.xlane v2, v0;
	_ =	sdelay $0x1  }
0x43: {  	v2 =	vadd.s32 v1, v2;
	_ =	sdelay $0x3  }
0x44: {  	s25 =	simm.s32 $0x8400  }
0x45: {  	[tilespmem:s25], [sflag:$0x2] =	stream.indirect_vreg.gather [hbm4b:s1+s3], $0x80, v2, vm0, $0xb8;
	[tilespmem:$0x18400] =	vst v63  }
0x46: {  	s25 =	simm.s32 $0x8C00  }
0x47: {  	[tilespmem:s25], [sflag:$0x2] =	stream.indirect_vreg.gather [hbm4b:s5+s3], $0x80, v2, vm0, $0xb8;
	[tilespmem:$0x18400] =	vst v63  }
0x48: {  	s25 =	simm.s32 $0x9400  }
0x49: {  	[tilespmem:s25], [sflag:$0x2] =	stream.indirect_vreg.gather [hbm4b:s6+s3], $0x80, v2, vm0, $0xb8;
	[tilespmem:$0x18400] =	vst v63  }
0x4a: {  	s25 =	simm.s32 $0x9C00  }
0x4b: {  	[tilespmem:s25], [sflag:$0x2] =	stream.indirect_vreg.gather [hbm4b:s7+s3], $0x80, v2, vm0, $0xb8;
	[tilespmem:$0x18400] =	vst v63  }
0x4c: {  	s25 =	simm.s32 $0xA400  }
0x4d: {  	[tilespmem:s25], [sflag:$0x2] =	stream.indirect_vreg.gather [hbm4b:s8+s3], $0x80, v2, vm0, $0xb8;
	[tilespmem:$0x18400] =	vst v63  }
0x4e: {  	s25 =	simm.s32 $0xAC00  }
0x4f: {  	[tilespmem:s25], [sflag:$0x2] =	stream.indirect_vreg.gather [hbm4b:s9+s3], $0x80, v2, vm0, $0xb8;
	[tilespmem:$0x18400] =	vst v63  }
0x50: {  	s25 =	simm.s32 $0xB400  }
0x51: {  	[tilespmem:s25], [sflag:$0x2] =	stream.indirect_vreg.gather [hbm4b:s10+s3], $0x80, v2, vm0, $0xb8;
	[tilespmem:$0x18400] =	vst v63  }
0x52: {  	s25 =	simm.s32 $0xBC00  }
0x53: {  	[tilespmem:s25], [sflag:$0x2] =	stream.indirect_vreg.gather [hbm4b:s11+s3], $0x80, v2, vm0, $0xb8;
	[tilespmem:$0x18400] =	vst v63  }
0x54: {  	s25 =	simm.s32 $0xC400  }
0x55: {  	[tilespmem:s25], [sflag:$0x2] =	stream.indirect_vreg.gather [hbm4b:s12+s3], $0x80, v2, vm0, $0xb8;
	[tilespmem:$0x18400] =	vst v63  }
0x56: {  	s25 =	simm.s32 $0xCC00  }
0x57: {  	[tilespmem:s25], [sflag:$0x2] =	stream.indirect_vreg.gather [hbm4b:s13+s3], $0x80, v2, vm0, $0xb8;
	[tilespmem:$0x18400] =	vst v63  }
0x58: {  	s25 =	simm.s32 $0xD400  }
0x59: {  	[tilespmem:s25], [sflag:$0x2] =	stream.indirect_vreg.gather [hbm4b:s14+s3], $0x80, v2, vm0, $0xb8;
	[tilespmem:$0x18400] =	vst v63  }
0x5a: {  	s25 =	simm.s32 $0xDC00  }
0x5b: {  	[tilespmem:s25], [sflag:$0x2] =	stream.indirect_vreg.gather [hbm4b:s15+s3], $0x80, v2, vm0, $0xb8;
	[tilespmem:$0x18400] =	vst v63  }
0x5c: {  	s25 =	simm.s32 $0xE400  }
0x5d: {  	[tilespmem:s25], [sflag:$0x2] =	stream.indirect_vreg.gather [hbm4b:s16+s3], $0x80, v2, vm0, $0xb8;
	[tilespmem:$0x18400] =	vst v63  }
0x5e: {  	s25 =	simm.s32 $0xEC00  }
0x5f: {  	[tilespmem:s25], [sflag:$0x2] =	stream.indirect_vreg.gather [hbm4b:s17+s3], $0x80, v2, vm0, $0xb8;
	[tilespmem:$0x18400] =	vst v63  }
0x60: {  	s25 =	simm.s32 $0xF400  }
0x61: {  	[tilespmem:s25], [sflag:$0x2] =	stream.indirect_vreg.gather [hbm4b:s18+s3], $0x80, v2, vm0, $0xb8;
	[tilespmem:$0x18400] =	vst v63  }
0x62: {  	s25 =	simm.s32 $0xFC00  }
0x63: {  	[tilespmem:s25], [sflag:$0x2] =	stream.indirect_vreg.gather [hbm4b:s19+s3], $0x80, v2, vm0, $0xb8;
	[tilespmem:$0x18400] =	vst v63  }
0x64: {  	_ =	swait.ge [sflag:s26], $0x8000  }
0x65: {  	[sflag:s26] =	ssyncset.done $0x0  }
0x66: {  	[sflag:s26] =	ssyncadd.s32 $0xFFFF8000  }
0x67: {  	v2 =	vld.msk [tilespmem:$0x10], $0xff;
	_ =	sdelay $0x4  }
0x68: {  	v3 =	vshll.u32 v2, $0x5  }
0x69: {  	v2 =	vand.u32 $0x7, v2;
	v3 =	vand.u32 $0xFFFFFF00, v3  }
0x6a: {  	v2 =	vor.u32 v2, v3  }
0x6b: {  	v2 =	vperm.xlane v2, v0;
	_ =	sdelay $0x1  }
0x6c: {  	v2 =	vadd.s32 v1, v2;
	_ =	sdelay $0x4  }
0x6d: {  	[tilespmem:s28], [sflag:$0x3] =	stream.indirect_vreg.gather [hbm4b:s1+s3], $0x80, v2, vm0, $0xb8;
	[tilespmem:$0x18400] =	vst v63  }
0x6e: {  	_ = 	snop  }
0x6f: {  	[tilespmem:s29], [sflag:$0x3] =	stream.indirect_vreg.gather [hbm4b:s5+s3], $0x80, v2, vm0, $0xb8;
	[tilespmem:$0x18400] =	vst v63  }
0x70: {  	_ = 	snop  }
0x71: {  	[tilespmem:s20], [sflag:$0x3] =	stream.indirect_vreg.gather [hbm4b:s6+s3], $0x80, v2, vm0, $0xb8;
	[tilespmem:$0x18400] =	vst v63  }
0x72: {  	_ = 	snop  }
0x73: {  	[tilespmem:s30], [sflag:$0x3] =	stream.indirect_vreg.gather [hbm4b:s7+s3], $0x80, v2, vm0, $0xb8;
	[tilespmem:$0x18400] =	vst v63  }
0x74: {  	_ = 	snop  }
0x75: {  	[tilespmem:s21], [sflag:$0x3] =	stream.indirect_vreg.gather [hbm4b:s8+s3], $0x80, v2, vm0, $0xb8;
	[tilespmem:$0x18400] =	vst v63  }
0x76: {  	_ = 	snop  }
0x77: {  	[tilespmem:s31], [sflag:$0x3] =	stream.indirect_vreg.gather [hbm4b:s9+s3], $0x80, v2, vm0, $0xb8;
	[tilespmem:$0x18400] =	vst v63  }
0x78: {  	_ = 	snop  }
0x79: {  	[tilespmem:s22], [sflag:$0x3] =	stream.indirect_vreg.gather [hbm4b:s10+s3], $0x80, v2, vm0, $0xb8;
	[tilespmem:$0x18400] =	vst v63  }
0x7a: {  	_ = 	snop  }
0x7b: {  	[tilespmem:s0], [sflag:$0x3] =	stream.indirect_vreg.gather [hbm4b:s11+s3], $0x80, v2, vm0, $0xb8;
	[tilespmem:$0x18400] =	vst v63  }
0x7c: {  	_ = 	snop  }
0x7d: {  	[tilespmem:s23], [sflag:$0x3] =	stream.indirect_vreg.gather [hbm4b:s12+s3], $0x80, v2, vm0, $0xb8;
	[tilespmem:$0x18400] =	vst v63  }
0x7e: {  	s1 =	simm.s32 $0x14C00  }
0x7f: {  	[tilespmem:s1], [sflag:$0x3] =	stream.indirect_vreg.gather [hbm4b:s13+s3], $0x80, v2, vm0, $0xb8;
	[tilespmem:$0x18400] =	vst v63  }
0x80: {  	s4 =	simm.s32 $0x15400  }
0x81: {  	[tilespmem:s4], [sflag:$0x3] =	stream.indirect_vreg.gather [hbm4b:s14+s3], $0x80, v2, vm0, $0xb8;
	[tilespmem:$0x18400] =	vst v63  }
0x82: {  	s20 =	simm.s32 $0x15C00  }
0x83: {  	[tilespmem:s20], [sflag:$0x3] =	stream.indirect_vreg.gather [hbm4b:s15+s3], $0x80, v2, vm0, $0xb8;
	[tilespmem:$0x18400] =	vst v63  }
0x84: {  	s21 =	simm.s32 $0x16400  }
0x85: {  	[tilespmem:s21], [sflag:$0x3] =	stream.indirect_vreg.gather [hbm4b:s16+s3], $0x80, v2, vm0, $0xb8;
	[tilespmem:$0x18400] =	vst v63  }
0x86: {  	s22 =	simm.s32 $0x16C00  }
0x87: {  	[tilespmem:s22], [sflag:$0x3] =	stream.indirect_vreg.gather [hbm4b:s17+s3], $0x80, v2, vm0, $0xb8;
	[tilespmem:$0x18400] =	vst v63  }
0x88: {  	s25 =	simm.s32 $0x17C00;
	s23 =	simm.s32 $0x17400  }
0x89: {  	[tilespmem:s23], [sflag:$0x3] =	stream.indirect_vreg.gather [hbm4b:s18+s3], $0x80, v2, vm0, $0xb8;
	[tilespmem:$0x18400] =	vst v63  }
0x8a: {  	s28 =	simm.s32 $0x0;
	s29 =	simm.s32 $0x10400;
	s30 =	simm.s32 $0x11400  }
0x8b: {  	[tilespmem:s25], [sflag:$0x3] =	stream.indirect_vreg.gather [hbm4b:s19+s3], $0x80, v2, vm0, $0xb8;
	[tilespmem:$0x18400] =	vst v63  }
0x8c: {  	s31 =	simm.s32 $0x12400;
	s0 =	simm.s32 $0x13400;
	_ =	swait.ge [sflag:s2], $0x8000  }
0x8d: {  	s1 =	simm.s32 $0x14400;
	s21 =	simm.s32 $0x11C00;
	[sflag:s2] =	ssyncset.done $0x0  }
0x8e: {  	s22 =	simm.s32 $0x12C00;
	s23 =	simm.s32 $0x13C00;
	[sflag:s2] =	ssyncadd.s32 $0xFFFF8000  }
.LBB2_2:
0x8f: {  	s25 =	sshra.s32 s28, $0x2  }
0x90: {  	v2 =	vld.msk [tilespmem:s25+$0x18], $0xff;
	_ =	sdelay $0x4  }
0x91: {  	v3 =	vshll.u32 v2, $0x5  }
0x92: {  	v2 =	vand.u32 $0x7, v2;
	v3 =	vand.u32 $0xFFFFFF00, v3  }
0x93: {  	v2 =	vor.u32 v2, v3  }
0x94: {  	v2 =	vperm.xlane v2, v0;
	_ =	sdelay $0x1  }
0x95: {  	v2 =	vadd.s32 v1, v2;
	_ =	sdelay $0x3  }
0x96: {  	s4 =	simm.s32 $0x400;
	s20 =	rddreg [dreg:$0x0]  }
0x97: {  	[tilespmem:s4], [sflag:$0x1] =	stream.indirect_vreg.gather [hbm4b:s20+s3], $0x80, v2, vm0, $0xb8;
	[tilespmem:$0x18400] =	vst v63  }
0x98: {  	s4 =	simm.s32 $0xC00  }
0x99: {  	[tilespmem:s4], [sflag:$0x1] =	stream.indirect_vreg.gather [hbm4b:s5+s3], $0x80, v2, vm0, $0xb8;
	[tilespmem:$0x18400] =	vst v63  }
0x9a: {  	s4 =	simm.s32 $0x1400  }
0x9b: {  	[tilespmem:s4], [sflag:$0x1] =	stream.indirect_vreg.gather [hbm4b:s6+s3], $0x80, v2, vm0, $0xb8;
	[tilespmem:$0x18400] =	vst v63  }
0x9c: {  	s4 =	simm.s32 $0x1C00  }
0x9d: {  	[tilespmem:s4], [sflag:$0x1] =	stream.indirect_vreg.gather [hbm4b:s7+s3], $0x80, v2, vm0, $0xb8;
	[tilespmem:$0x18400] =	vst v63  }
0x9e: {  	s4 =	simm.s32 $0x2400  }
0x9f: {  	[tilespmem:s4], [sflag:$0x1] =	stream.indirect_vreg.gather [hbm4b:s8+s3], $0x80, v2, vm0, $0xb8;
	[tilespmem:$0x18400] =	vst v63  }
0xa0: {  	s4 =	simm.s32 $0x2C00  }
0xa1: {  	[tilespmem:s4], [sflag:$0x1] =	stream.indirect_vreg.gather [hbm4b:s9+s3], $0x80, v2, vm0, $0xb8;
	[tilespmem:$0x18400] =	vst v63  }
0xa2: {  	s4 =	simm.s32 $0x3400  }
0xa3: {  	[tilespmem:s4], [sflag:$0x1] =	stream.indirect_vreg.gather [hbm4b:s10+s3], $0x80, v2, vm0, $0xb8;
	[tilespmem:$0x18400] =	vst v63  }
0xa4: {  	s4 =	simm.s32 $0x3C00  }
0xa5: {  	[tilespmem:s4], [sflag:$0x1] =	stream.indirect_vreg.gather [hbm4b:s11+s3], $0x80, v2, vm0, $0xb8;
	[tilespmem:$0x18400] =	vst v63  }
0xa6: {  	s4 =	simm.s32 $0x4400  }
0xa7: {  	[tilespmem:s4], [sflag:$0x1] =	stream.indirect_vreg.gather [hbm4b:s12+s3], $0x80, v2, vm0, $0xb8;
	[tilespmem:$0x18400] =	vst v63  }
0xa8: {  	s4 =	simm.s32 $0x4C00  }
0xa9: {  	[tilespmem:s4], [sflag:$0x1] =	stream.indirect_vreg.gather [hbm4b:s13+s3], $0x80, v2, vm0, $0xb8;
	[tilespmem:$0x18400] =	vst v63  }
0xaa: {  	s4 =	simm.s32 $0x5400  }
0xab: {  	[tilespmem:s4], [sflag:$0x1] =	stream.indirect_vreg.gather [hbm4b:s14+s3], $0x80, v2, vm0, $0xb8;
	[tilespmem:$0x18400] =	vst v63  }
0xac: {  	s4 =	simm.s32 $0x5C00  }
0xad: {  	[tilespmem:s4], [sflag:$0x1] =	stream.indirect_vreg.gather [hbm4b:s15+s3], $0x80, v2, vm0, $0xb8;
	[tilespmem:$0x18400] =	vst v63  }
0xae: {  	s4 =	simm.s32 $0x6400  }
0xaf: {  	[tilespmem:s4], [sflag:$0x1] =	stream.indirect_vreg.gather [hbm4b:s16+s3], $0x80, v2, vm0, $0xb8;
	[tilespmem:$0x18400] =	vst v63  }
0xb0: {  	s4 =	simm.s32 $0x6C00  }
0xb1: {  	[tilespmem:s4], [sflag:$0x1] =	stream.indirect_vreg.gather [hbm4b:s17+s3], $0x80, v2, vm0, $0xb8;
	[tilespmem:$0x18400] =	vst v63  }
0xb2: {  	s4 =	simm.s32 $0x7400  }
0xb3: {  	[tilespmem:s4], [sflag:$0x1] =	stream.indirect_vreg.gather [hbm4b:s18+s3], $0x80, v2, vm0, $0xb8;
	[tilespmem:$0x18400] =	vst v63  }
0xb4: {  	s4 =	simm.s32 $0x7C00  }
0xb5: {  	[tilespmem:s4], [sflag:$0x1] =	stream.indirect_vreg.gather [hbm4b:s19+s3], $0x80, v2, vm0, $0xb8;
	[tilespmem:$0x18400] =	vst v63  }
0xb6: {  	_ =	swait.ge [sflag:s24], $0x8000  }
0xb7: {  	[sflag:s24] =	ssyncset.done $0x0  }
0xb8: {  	[sflag:s24] =	ssyncadd.s32 $0xFFFF8000  }
0xb9: {  	v2 =	vld.msk [tilespmem:s25+$0x20], $0xff;
	_ =	sdelay $0x4  }
0xba: {  	v3 =	vshll.u32 v2, $0x5  }
0xbb: {  	v2 =	vand.u32 $0x7, v2;
	v3 =	vand.u32 $0xFFFFFF00, v3  }
0xbc: {  	v2 =	vor.u32 v2, v3  }
0xbd: {  	v2 =	vperm.xlane v2, v0;
	_ =	sdelay $0x1  }
0xbe: {  	v2 =	vadd.s32 v1, v2;
	_ =	sdelay $0x3  }
0xbf: {  	s4 =	simm.s32 $0x8400  }
0xc0: {  	[tilespmem:s4], [sflag:$0x2] =	stream.indirect_vreg.gather [hbm4b:s20+s3], $0x80, v2, vm0, $0xb8;
	[tilespmem:$0x18400] =	vst v63  }
0xc1: {  	s4 =	simm.s32 $0x8C00  }
0xc2: {  	[tilespmem:s4], [sflag:$0x2] =	stream.indirect_vreg.gather [hbm4b:s5+s3], $0x80, v2, vm0, $0xb8;
	[tilespmem:$0x18400] =	vst v63  }
0xc3: {  	s4 =	simm.s32 $0x9400  }
0xc4: {  	[tilespmem:s4], [sflag:$0x2] =	stream.indirect_vreg.gather [hbm4b:s6+s3], $0x80, v2, vm0, $0xb8;
	[tilespmem:$0x18400] =	vst v63  }
0xc5: {  	s4 =	simm.s32 $0x9C00  }
0xc6: {  	[tilespmem:s4], [sflag:$0x2] =	stream.indirect_vreg.gather [hbm4b:s7+s3], $0x80, v2, vm0, $0xb8;
	[tilespmem:$0x18400] =	vst v63  }
0xc7: {  	s4 =	simm.s32 $0xA400  }
0xc8: {  	[tilespmem:s4], [sflag:$0x2] =	stream.indirect_vreg.gather [hbm4b:s8+s3], $0x80, v2, vm0, $0xb8;
	[tilespmem:$0x18400] =	vst v63  }
0xc9: {  	s4 =	simm.s32 $0xAC00  }
0xca: {  	[tilespmem:s4], [sflag:$0x2] =	stream.indirect_vreg.gather [hbm4b:s9+s3], $0x80, v2, vm0, $0xb8;
	[tilespmem:$0x18400] =	vst v63  }
0xcb: {  	s4 =	simm.s32 $0xB400  }
0xcc: {  	[tilespmem:s4], [sflag:$0x2] =	stream.indirect_vreg.gather [hbm4b:s10+s3], $0x80, v2, vm0, $0xb8;
	[tilespmem:$0x18400] =	vst v63  }
0xcd: {  	s4 =	simm.s32 $0xBC00  }
0xce: {  	[tilespmem:s4], [sflag:$0x2] =	stream.indirect_vreg.gather [hbm4b:s11+s3], $0x80, v2, vm0, $0xb8;
	[tilespmem:$0x18400] =	vst v63  }
0xcf: {  	s4 =	simm.s32 $0xC400  }
0xd0: {  	[tilespmem:s4], [sflag:$0x2] =	stream.indirect_vreg.gather [hbm4b:s12+s3], $0x80, v2, vm0, $0xb8;
	[tilespmem:$0x18400] =	vst v63  }
0xd1: {  	s4 =	simm.s32 $0xCC00  }
0xd2: {  	[tilespmem:s4], [sflag:$0x2] =	stream.indirect_vreg.gather [hbm4b:s13+s3], $0x80, v2, vm0, $0xb8;
	[tilespmem:$0x18400] =	vst v63  }
0xd3: {  	s4 =	simm.s32 $0xD400  }
0xd4: {  	[tilespmem:s4], [sflag:$0x2] =	stream.indirect_vreg.gather [hbm4b:s14+s3], $0x80, v2, vm0, $0xb8;
	[tilespmem:$0x18400] =	vst v63  }
0xd5: {  	s4 =	simm.s32 $0xDC00  }
0xd6: {  	[tilespmem:s4], [sflag:$0x2] =	stream.indirect_vreg.gather [hbm4b:s15+s3], $0x80, v2, vm0, $0xb8;
	[tilespmem:$0x18400] =	vst v63  }
0xd7: {  	s4 =	simm.s32 $0xE400  }
0xd8: {  	[tilespmem:s4], [sflag:$0x2] =	stream.indirect_vreg.gather [hbm4b:s16+s3], $0x80, v2, vm0, $0xb8;
	[tilespmem:$0x18400] =	vst v63  }
0xd9: {  	s4 =	simm.s32 $0xEC00  }
0xda: {  	[tilespmem:s4], [sflag:$0x2] =	stream.indirect_vreg.gather [hbm4b:s17+s3], $0x80, v2, vm0, $0xb8;
	[tilespmem:$0x18400] =	vst v63  }
0xdb: {  	s4 =	simm.s32 $0xF400  }
0xdc: {  	[tilespmem:s4], [sflag:$0x2] =	stream.indirect_vreg.gather [hbm4b:s18+s3], $0x80, v2, vm0, $0xb8;
	[tilespmem:$0x18400] =	vst v63  }
0xdd: {  	s4 =	simm.s32 $0xFC00  }
0xde: {  	[tilespmem:s4], [sflag:$0x2] =	stream.indirect_vreg.gather [hbm4b:s19+s3], $0x80, v2, vm0, $0xb8;
	[tilespmem:$0x18400] =	vst v63  }
0xdf: {  	_ =	swait.ge [sflag:s26], $0x8000  }
0xe0: {  	[sflag:s26] =	ssyncset.done $0x0  }
0xe1: {  	[sflag:s26] =	ssyncadd.s32 $0xFFFF8000  }
0xe2: {  	v2 =	vld.msk [tilespmem:s25+$0x28], $0xff;
	_ =	sdelay $0x4  }
0xe3: {  	v3 =	vshll.u32 v2, $0x5  }
0xe4: {  	v2 =	vand.u32 $0x7, v2;
	v3 =	vand.u32 $0xFFFFFF00, v3  }
0xe5: {  	v2 =	vor.u32 v2, v3  }
0xe6: {  	v2 =	vperm.xlane v2, v0;
	_ =	sdelay $0x1  }
0xe7: {  	v2 =	vadd.s32 v1, v2;
	_ =	sdelay $0x4  }
0xe8: {  	[tilespmem:s29], [sflag:$0x3] =	stream.indirect_vreg.gather [hbm4b:s20+s3], $0x80, v2, vm0, $0xb8;
	[tilespmem:$0x18400] =	vst v63  }
0xe9: {  	s20 =	simm.s32 $0x10C00  }
0xea: {  	[tilespmem:s20], [sflag:$0x3] =	stream.indirect_vreg.gather [hbm4b:s5+s3], $0x80, v2, vm0, $0xb8;
	[tilespmem:$0x18400] =	vst v63  }
0xeb: {  	_ = 	snop  }
0xec: {  	[tilespmem:s30], [sflag:$0x3] =	stream.indirect_vreg.gather [hbm4b:s6+s3], $0x80, v2, vm0, $0xb8;
	[tilespmem:$0x18400] =	vst v63  }
0xed: {  	_ = 	snop  }
0xee: {  	[tilespmem:s21], [sflag:$0x3] =	stream.indirect_vreg.gather [hbm4b:s7+s3], $0x80, v2, vm0, $0xb8;
	[tilespmem:$0x18400] =	vst v63  }
0xef: {  	_ = 	snop  }
0xf0: {  	[tilespmem:s31], [sflag:$0x3] =	stream.indirect_vreg.gather [hbm4b:s8+s3], $0x80, v2, vm0, $0xb8;
	[tilespmem:$0x18400] =	vst v63  }
0xf1: {  	_ = 	snop  }
0xf2: {  	[tilespmem:s22], [sflag:$0x3] =	stream.indirect_vreg.gather [hbm4b:s9+s3], $0x80, v2, vm0, $0xb8;
	[tilespmem:$0x18400] =	vst v63  }
0xf3: {  	_ = 	snop  }
0xf4: {  	[tilespmem:s0], [sflag:$0x3] =	stream.indirect_vreg.gather [hbm4b:s10+s3], $0x80, v2, vm0, $0xb8;
	[tilespmem:$0x18400] =	vst v63  }
0xf5: {  	_ = 	snop  }
0xf6: {  	[tilespmem:s23], [sflag:$0x3] =	stream.indirect_vreg.gather [hbm4b:s11+s3], $0x80, v2, vm0, $0xb8;
	[tilespmem:$0x18400] =	vst v63  }
0xf7: {  	_ = 	snop  }
0xf8: {  	[tilespmem:s1], [sflag:$0x3] =	stream.indirect_vreg.gather [hbm4b:s12+s3], $0x80, v2, vm0, $0xb8;
	[tilespmem:$0x18400] =	vst v63  }
0xf9: {  	s25 =	simm.s32 $0x14C00  }
0xfa: {  	[tilespmem:s25], [sflag:$0x3] =	stream.indirect_vreg.gather [hbm4b:s13+s3], $0x80, v2, vm0, $0xb8;
	[tilespmem:$0x18400] =	vst v63  }
0xfb: {  	s20 =	simm.s32 $0x15400  }
0xfc: {  	[tilespmem:s20], [sflag:$0x3] =	stream.indirect_vreg.gather [hbm4b:s14+s3], $0x80, v2, vm0, $0xb8;
	[tilespmem:$0x18400] =	vst v63  }
0xfd: {  	s25 =	simm.s32 $0x15C00  }
0xfe: {  	[tilespmem:s25], [sflag:$0x3] =	stream.indirect_vreg.gather [hbm4b:s15+s3], $0x80, v2, vm0, $0xb8;
	[tilespmem:$0x18400] =	vst v63  }
0xff: {  	s20 =	simm.s32 $0x16400  }
0x100: {  	[tilespmem:s20], [sflag:$0x3] =	stream.indirect_vreg.gather [hbm4b:s16+s3], $0x80, v2, vm0, $0xb8;
	[tilespmem:$0x18400] =	vst v63  }
0x101: {  	s25 =	simm.s32 $0x16C00  }
0x102: {  	[tilespmem:s25], [sflag:$0x3] =	stream.indirect_vreg.gather [hbm4b:s17+s3], $0x80, v2, vm0, $0xb8;
	[tilespmem:$0x18400] =	vst v63  }
0x103: {  	p0 =	sne.s32 s28, $0xF00;
	s20 =	simm.s32 $0x17400  }
0x104: {  	[tilespmem:s20], [sflag:$0x3] =	stream.indirect_vreg.gather [hbm4b:s18+s3], $0x80, v2, vm0, $0xb8;
	[tilespmem:$0x18400] =	vst v63  }
.Ltmp0:
0x105: {  	s25 =	simm.s32 $0x17C00;
	(pc) =	sbr.rel @p0 .LBB2_2-.Ltmp0, $4  }
0x106: {  	[tilespmem:s25], [sflag:$0x3] =	stream.indirect_vreg.gather [hbm4b:s19+s3], $0x80, v2, vm0, $0xb8;
	[tilespmem:$0x18400] =	vst v63  }
0x107: {  	_ =	swait.ge [sflag:s2], $0x8000  }
0x108: {  	[sflag:s2] =	ssyncset.done $0x0  }
0x109: {  	s28 =	sadd.s32 $0x60, s28;
	[sflag:s2] =	ssyncadd.s32 $0xFFFF8000  }
0x10a: {  	v2 =	vld.msk [tilespmem:$0x3F0], $0xff;
	_ =	sdelay $0x4  }
0x10b: {  	v3 =	vshll.u32 v2, $0x5  }
0x10c: {  	v2 =	vand.u32 $0x7, v2;
	v3 =	vand.u32 $0xFFFFFF00, v3  }
0x10d: {  	v2 =	vor.u32 v2, v3  }
0x10e: {  	v2 =	vperm.xlane v2, v0;
	_ =	sdelay $0x1  }
0x10f: {  	v2 =	vadd.s32 v1, v2;
	_ =	sdelay $0x3  }
0x110: {  	s4 =	simm.s32 $0x400;
	s0 =	rddreg [dreg:$0x0]  }
0x111: {  	[tilespmem:s4], [sflag:$0x1] =	stream.indirect_vreg.gather [hbm4b:s0+s3], $0x80, v2, vm0, $0xb8;
	[tilespmem:$0x18400] =	vst v63  }
0x112: {  	s20 =	simm.s32 $0xC00  }
0x113: {  	[tilespmem:s20], [sflag:$0x1] =	stream.indirect_vreg.gather [hbm4b:s5+s3], $0x80, v2, vm0, $0xb8;
	[tilespmem:$0x18400] =	vst v63  }
0x114: {  	s21 =	simm.s32 $0x1400  }
0x115: {  	[tilespmem:s21], [sflag:$0x1] =	stream.indirect_vreg.gather [hbm4b:s6+s3], $0x80, v2, vm0, $0xb8;
	[tilespmem:$0x18400] =	vst v63  }
0x116: {  	s22 =	simm.s32 $0x1C00  }
0x117: {  	[tilespmem:s22], [sflag:$0x1] =	stream.indirect_vreg.gather [hbm4b:s7+s3], $0x80, v2, vm0, $0xb8;
	[tilespmem:$0x18400] =	vst v63  }
0x118: {  	s23 =	simm.s32 $0x2400  }
0x119: {  	[tilespmem:s23], [sflag:$0x1] =	stream.indirect_vreg.gather [hbm4b:s8+s3], $0x80, v2, vm0, $0xb8;
	[tilespmem:$0x18400] =	vst v63  }
0x11a: {  	s25 =	simm.s32 $0x2C00  }
0x11b: {  	[tilespmem:s25], [sflag:$0x1] =	stream.indirect_vreg.gather [hbm4b:s9+s3], $0x80, v2, vm0, $0xb8;
	[tilespmem:$0x18400] =	vst v63  }
0x11c: {  	s1 =	simm.s32 $0x3400  }
0x11d: {  	[tilespmem:s1], [sflag:$0x1] =	stream.indirect_vreg.gather [hbm4b:s10+s3], $0x80, v2, vm0, $0xb8;
	[tilespmem:$0x18400] =	vst v63  }
0x11e: {  	s20 =	simm.s32 $0x3C00  }
0x11f: {  	[tilespmem:s20], [sflag:$0x1] =	stream.indirect_vreg.gather [hbm4b:s11+s3], $0x80, v2, vm0, $0xb8;
	[tilespmem:$0x18400] =	vst v63  }
0x120: {  	s21 =	simm.s32 $0x4400  }
0x121: {  	[tilespmem:s21], [sflag:$0x1] =	stream.indirect_vreg.gather [hbm4b:s12+s3], $0x80, v2, vm0, $0xb8;
	[tilespmem:$0x18400] =	vst v63  }
0x122: {  	s22 =	simm.s32 $0x4C00  }
0x123: {  	[tilespmem:s22], [sflag:$0x1] =	stream.indirect_vreg.gather [hbm4b:s13+s3], $0x80, v2, vm0, $0xb8;
	[tilespmem:$0x18400] =	vst v63  }
0x124: {  	s23 =	simm.s32 $0x5400  }
0x125: {  	[tilespmem:s23], [sflag:$0x1] =	stream.indirect_vreg.gather [hbm4b:s14+s3], $0x80, v2, vm0, $0xb8;
	[tilespmem:$0x18400] =	vst v63  }
0x126: {  	s25 =	simm.s32 $0x5C00  }
0x127: {  	[tilespmem:s25], [sflag:$0x1] =	stream.indirect_vreg.gather [hbm4b:s15+s3], $0x80, v2, vm0, $0xb8;
	[tilespmem:$0x18400] =	vst v63  }
0x128: {  	s1 =	simm.s32 $0x6400  }
0x129: {  	[tilespmem:s1], [sflag:$0x1] =	stream.indirect_vreg.gather [hbm4b:s16+s3], $0x80, v2, vm0, $0xb8;
	[tilespmem:$0x18400] =	vst v63  }
0x12a: {  	s20 =	simm.s32 $0x6C00  }
0x12b: {  	[tilespmem:s20], [sflag:$0x1] =	stream.indirect_vreg.gather [hbm4b:s17+s3], $0x80, v2, vm0, $0xb8;
	[tilespmem:$0x18400] =	vst v63  }
0x12c: {  	s21 =	simm.s32 $0x7400  }
0x12d: {  	[tilespmem:s21], [sflag:$0x1] =	stream.indirect_vreg.gather [hbm4b:s18+s3], $0x80, v2, vm0, $0xb8;
	[tilespmem:$0x18400] =	vst v63  }
0x12e: {  	s22 =	simm.s32 $0x7C00  }
0x12f: {  	[tilespmem:s22], [sflag:$0x1] =	stream.indirect_vreg.gather [hbm4b:s19+s3], $0x80, v2, vm0, $0xb8;
	[tilespmem:$0x18400] =	vst v63  }
0x130: {  	_ =	swait.ge [sflag:s24], $0x8000  }
0x131: {  	[sflag:s24] =	ssyncset.done $0x0  }
0x132: {  	[sflag:s24] =	ssyncadd.s32 $0xFFFF8000  }
0x133: {  	v2 =	vld.msk [tilespmem:$0x3F8], $0xff;
	_ =	sdelay $0x4  }
0x134: {  	v3 =	vshll.u32 v2, $0x5  }
0x135: {  	v2 =	vand.u32 $0x7, v2;
	v3 =	vand.u32 $0xFFFFFF00, v3  }
0x136: {  	v2 =	vor.u32 v2, v3  }
0x137: {  	v2 =	vperm.xlane v2, v0;
	_ =	sdelay $0x1  }
0x138: {  	v2 =	vadd.s32 v1, v2;
	_ =	sdelay $0x3  }
0x139: {  	s23 =	simm.s32 $0x8400  }
0x13a: {  	[tilespmem:s23], [sflag:$0x2] =	stream.indirect_vreg.gather [hbm4b:s0+s3], $0x80, v2, vm0, $0xb8;
	[tilespmem:$0x18400] =	vst v63  }
0x13b: {  	s25 =	simm.s32 $0x8C00  }
0x13c: {  	[tilespmem:s25], [sflag:$0x2] =	stream.indirect_vreg.gather [hbm4b:s5+s3], $0x80, v2, vm0, $0xb8;
	[tilespmem:$0x18400] =	vst v63  }
0x13d: {  	s0 =	simm.s32 $0x9400  }
0x13e: {  	[tilespmem:s0], [sflag:$0x2] =	stream.indirect_vreg.gather [hbm4b:s6+s3], $0x80, v2, vm0, $0xb8;
	[tilespmem:$0x18400] =	vst v63  }
0x13f: {  	s1 =	simm.s32 $0x9C00  }
0x140: {  	[tilespmem:s1], [sflag:$0x2] =	stream.indirect_vreg.gather [hbm4b:s7+s3], $0x80, v2, vm0, $0xb8;
	[tilespmem:$0x18400] =	vst v63  }
0x141: {  	s20 =	simm.s32 $0xA400  }
0x142: {  	[tilespmem:s20], [sflag:$0x2] =	stream.indirect_vreg.gather [hbm4b:s8+s3], $0x80, v2, vm0, $0xb8;
	[tilespmem:$0x18400] =	vst v63  }
0x143: {  	s21 =	simm.s32 $0xAC00  }
0x144: {  	[tilespmem:s21], [sflag:$0x2] =	stream.indirect_vreg.gather [hbm4b:s9+s3], $0x80, v2, vm0, $0xb8;
	[tilespmem:$0x18400] =	vst v63  }
0x145: {  	s22 =	simm.s32 $0xB400  }
0x146: {  	[tilespmem:s22], [sflag:$0x2] =	stream.indirect_vreg.gather [hbm4b:s10+s3], $0x80, v2, vm0, $0xb8;
	[tilespmem:$0x18400] =	vst v63  }
0x147: {  	s23 =	simm.s32 $0xBC00  }
0x148: {  	[tilespmem:s23], [sflag:$0x2] =	stream.indirect_vreg.gather [hbm4b:s11+s3], $0x80, v2, vm0, $0xb8;
	[tilespmem:$0x18400] =	vst v63  }
0x149: {  	s25 =	simm.s32 $0xC400  }
0x14a: {  	[tilespmem:s25], [sflag:$0x2] =	stream.indirect_vreg.gather [hbm4b:s12+s3], $0x80, v2, vm0, $0xb8;
	[tilespmem:$0x18400] =	vst v63  }
0x14b: {  	s0 =	simm.s32 $0xCC00  }
0x14c: {  	[tilespmem:s0], [sflag:$0x2] =	stream.indirect_vreg.gather [hbm4b:s13+s3], $0x80, v2, vm0, $0xb8;
	[tilespmem:$0x18400] =	vst v63  }
0x14d: {  	s1 =	simm.s32 $0xD400  }
0x14e: {  	[tilespmem:s1], [sflag:$0x2] =	stream.indirect_vreg.gather [hbm4b:s14+s3], $0x80, v2, vm0, $0xb8;
	[tilespmem:$0x18400] =	vst v63  }
0x14f: {  	s20 =	simm.s32 $0xDC00  }
0x150: {  	[tilespmem:s20], [sflag:$0x2] =	stream.indirect_vreg.gather [hbm4b:s15+s3], $0x80, v2, vm0, $0xb8;
	[tilespmem:$0x18400] =	vst v63  }
0x151: {  	s21 =	simm.s32 $0xE400  }
0x152: {  	[tilespmem:s21], [sflag:$0x2] =	stream.indirect_vreg.gather [hbm4b:s16+s3], $0x80, v2, vm0, $0xb8;
	[tilespmem:$0x18400] =	vst v63  }
0x153: {  	s22 =	simm.s32 $0xEC00  }
0x154: {  	[tilespmem:s22], [sflag:$0x2] =	stream.indirect_vreg.gather [hbm4b:s17+s3], $0x80, v2, vm0, $0xb8;
	[tilespmem:$0x18400] =	vst v63  }
0x155: {  	s23 =	simm.s32 $0xF400  }
0x156: {  	[tilespmem:s23], [sflag:$0x2] =	stream.indirect_vreg.gather [hbm4b:s18+s3], $0x80, v2, vm0, $0xb8;
	[tilespmem:$0x18400] =	vst v63  }
0x157: {  	s25 =	simm.s32 $0xFC00  }
0x158: {  	[tilespmem:s25], [sflag:$0x2] =	stream.indirect_vreg.gather [hbm4b:s19+s3], $0x80, v2, vm0, $0xb8;
	[tilespmem:$0x18400] =	vst v63  }
0x159: {  	_ =	swait.ge [sflag:s26], $0x8000  }
0x15a: {  	[sflag:s26] =	ssyncset.done $0x0  }
0x15b: {  	[sflag:s26] =	ssyncadd.s32 $0xFFFF8000  }
0x15c: {  	_ =	swait.ge [sflag:s2], $0x8000  }
0x15d: {  	s1 =	rddreg [dreg:$0x5]  }
0x15e: {  	s25 =	rddreg [dreg:$0x4];
	s1 =	sadd.s32 $0x1, s1  }
0x15f: {  	p0 =	sne.s32 s1, s25  }
.Ltmp1:
0x160: {  	_ = 	snop;
	(pc) =	sbr.rel @p0 .LBB2_1-.Ltmp1, $4  }
0x161: {  	s28 =	simm.s32 $0x10400;
	s29 =	simm.s32 $0x10C00  }
0x162: {  	s30 =	simm.s32 $0x11C00;
	s31 =	simm.s32 $0x12C00;
	s0 =	simm.s32 $0x13C00  }
0x163: {  	s20 =	simm.s32 $0x11400;
	s21 =	simm.s32 $0x12400;
	[sflag:s2] =	ssyncset.done $0x0  }
0x164: {  	s22 =	simm.s32 $0x13400;
	s23 =	simm.s32 $0x14400;
	[sflag:s2] =	ssyncadd.s32 $0xFFFF8000  }
0x165: {  	_ =	sfence.sel $0x180000  }
0x166: {  	[bflag:$0x0] =	sbarrier.arrive $0xFFFF  }
0x167: {  	_ =	strace $0x90000047  }
0x168: {  	s0 =	stileid.u32;
	[bflag:$0x2] =	sbarrier.arrive $0xFFFF  }
0x169: {  	p0 =	sne.s32 s0, $0x0;
	s0 =	rddreg [dreg:$0x2]  }
0x16a: {  	s0 =	sadd.s32 @!p0 $0x100000, s0  }
0x16b: {  	[sflag:s0] =	ssyncadd.tile.s32 @!p0 $0x1;
	_ =	shalt  }
.Lfunc_end2:
_tile_overlayer_lowered:
.L_overlay_start_2:
0x16c: {  	(tag) =	ssettag $0x2  }
0x16d: {  	s0 =	rddreg [dreg:$0x0];
	s2 =	stileid.u32  }
0x16e: {  	s1 =	rddreg [dreg:$0x1];
	p0 =	sne.s32 s2, $0x0  }
0x16f: {  	s3 =	rddreg [dreg:$0x2];
	[bflag:$0x3] =	sbarrier.arrive $0xFFFF;
	s2 =	simm.s32 @!p0 $0x1C04  }
0x170: {  	[timem:s3], [sflag:s2] =	dma.local @!p0 [hbm:s0], s1  }
0x171: {  	s0 =	simm.s32 @!p0 $0x4  }
0x172: {  	_ =	swait.ge @!p0 [sflag:s0], s1  }
0x173: {  	s1 =	ssub.s32 @!p0 $0x0, s1;
	[sflag:s0] =	ssyncset.done @!p0 $0x0  }
0x174: {  	[sflag:s0] =	ssyncadd.s32 @!p0 s1  }
0x175: {  	[bflag:$0x3] =	sbarrier.arrive $0xFFFF  }
0x176: {  	_ =	shalt  }

</sc_bundles>
